<compile_context>
chip_gen: v7x
topology: tpu7x:2x2x1
jax: 0.10.2.dev20260603
libtpu: 0.0.44.dev20260713+nightly
codegen_flags: <defaults>
</compile_context>

<pallas_src>
import functools

import jax
import jax.numpy as jnp
from jax import lax
from jax.experimental import pallas as pl
from jax.experimental.pallas import tpu as pltpu
from jax.experimental.pallas import tpu_sc as plsc

EMBED = 64
SEQ = 512
EPS = 1e-5
NW = 32
CHUNK = 256
BB = 8


def _make_gather(n_rows):
    rows_per_w = n_rows // NW

    mesh = plsc.VectorSubcoreMesh(core_axis_name="c", subcore_axis_name="s")

    @functools.partial(
        pl.kernel,
        mesh=mesh,
        compiler_params=pltpu.CompilerParams(use_tc_tiling_on_sc=True),
        out_type=jax.ShapeDtypeStruct((n_rows, 2 * EMBED), jnp.float32),
        scratch_types=[
            pltpu.VMEM((CHUNK,), jnp.int32),
            pltpu.VMEM((CHUNK,), jnp.int32),
            pltpu.VMEM((CHUNK, 2 * EMBED), jnp.float32),
            pltpu.VMEM((CHUNK, 2 * EMBED), jnp.float32),
            pltpu.SemaphoreType.DMA,
            pltpu.SemaphoreType.DMA,
        ],
    )
    def gather(ids_hbm, tok_hbm, out_hbm, idx0, idx1, rows0, rows1,
               sem0, sem1):
        wid = lax.axis_index("s") * 2 + lax.axis_index("c")
        base = wid * rows_per_w

        def body(i, _):
            off0 = base + i * (2 * CHUNK)
            off1 = off0 + CHUNK
            pltpu.sync_copy(ids_hbm.at[pl.ds(off0, CHUNK)], idx0)
            h0 = pltpu.async_copy(tok_hbm.at[idx0], rows0, sem0)
            pltpu.sync_copy(ids_hbm.at[pl.ds(off1, CHUNK)], idx1)
            h1 = pltpu.async_copy(tok_hbm.at[idx1], rows1, sem1)
            h0.wait()
            pltpu.sync_copy(rows0, out_hbm.at[pl.ds(off0, CHUNK)])
            h1.wait()
            pltpu.sync_copy(rows1, out_hbm.at[pl.ds(off1, CHUNK)])
            return 0

        lax.fori_loop(0, rows_per_w // (2 * CHUNK), body, 0)

    return gather


def _ln_body(x2_ref, ids_ref, pos2_ref, g_ref, b_ref, o_ref):
    nc = SEQ // 128
    x2 = x2_ref[...].reshape(-1, nc, 128, 128)
    xp = x2 + pos2_ref[...].reshape(1, nc, 128, 128)
    xt = jnp.swapaxes(xp, 2, 3)
    lo = xt[:, :, :EMBED, :]
    hi = xt[:, :, EMBED:, :]
    odd = (ids_ref[...].reshape(-1, nc, 1, 128) & 1) == 1
    x = jnp.where(odd, hi, lo)
    s1 = jnp.sum(x, axis=2, keepdims=True)
    s2 = jnp.sum(x * x, axis=2, keepdims=True)
    mean = s1 * (1.0 / EMBED)
    var = s2 * (1.0 / EMBED) - mean * mean
    inv = lax.rsqrt(var + EPS)
    g = g_ref[...].reshape(1, 1, EMBED, 1)
    b = b_ref[...].reshape(1, 1, EMBED, 1)
    y = (x - mean) * inv * g + b
    yt = jnp.swapaxes(y, 1, 2)
    o_ref[...] = yt.reshape(yt.shape[0], EMBED, SEQ)


def kernel(input_ids, token_table, pos_table, gamma, beta):
    batch, seq = input_ids.shape
    n_rows = batch * seq
    ids_half = input_ids.reshape(n_rows) >> 1
    tok2 = token_table.reshape(-1, 2 * EMBED)
    pos2 = jnp.concatenate([pos_table, pos_table], axis=1)

    g2 = _make_gather(n_rows)(ids_half, tok2)

    out_t = pl.pallas_call(
        _ln_body,
        grid=(batch // BB,),
        in_specs=[
            pl.BlockSpec((BB * seq, 2 * EMBED), lambda i: (i, 0)),
            pl.BlockSpec((BB, seq), lambda i: (i, 0)),
            pl.BlockSpec((seq, 2 * EMBED), lambda i: (0, 0)),
            pl.BlockSpec((EMBED, 1), lambda i: (0, 0)),
            pl.BlockSpec((EMBED, 1), lambda i: (0, 0)),
        ],
        out_specs=pl.BlockSpec((BB, EMBED, seq), lambda i: (i, 0, 0)),
        out_shape=jax.ShapeDtypeStruct((batch, EMBED, seq), jnp.float32),
    )(g2, input_ids, pos2, gamma.reshape(EMBED, 1), beta.reshape(EMBED, 1))
    return jnp.transpose(out_t, (0, 2, 1))

# --- scband reference (transcript-rebuilt; emitter-appended) ---
"""Pipeline reference for scband-lla-maembedding-88433376625165 (READ-ONLY COPY).

The authoritative reference and input builder live on the scoring server;
editing this copy changes nothing except your own understanding.
"""

import jax, jax.numpy as jnp
import numpy as np

VOCAB = 1000000
EMBED = 64
MAX_SEQ = 512
BATCH = 1024
SEQ = 512
EPS = 1e-5


def setup_inputs(seed: int = 0) -> dict:
    key = jax.random.key(seed)
    k1, k2, k3 = jax.random.split(key, 3)
    input_ids = jax.random.randint(k1, (BATCH, SEQ), 0, VOCAB, dtype=jnp.int64 if jax.config.jax_enable_x64 else jnp.int32).astype(jnp.int32)
    token_table = jax.random.normal(k2, (VOCAB, EMBED), dtype=jnp.float32) * 0.02
    pos_table = jax.random.normal(k3, (MAX_SEQ, EMBED), dtype=jnp.float32) * 0.02
    gamma = jnp.ones((EMBED,), dtype=jnp.float32)
    beta = jnp.zeros((EMBED,), dtype=jnp.float32)
    return {"input_ids": input_ids, "token_table": token_table, "pos_table": pos_table, "gamma": gamma, "beta": beta}


def _layer_norm(x, gamma, beta):
    mean = jnp.mean(x, axis=-1, keepdims=True)
    var = jnp.mean(jnp.square(x - mean), axis=-1, keepdims=True)
    xhat = (x - mean) / jnp.sqrt(var + EPS)
    return xhat * gamma + beta


def reference(input_ids, token_table, pos_table, gamma, beta):
    batch_size, seq_len = input_ids.shape
    token_embeds = jnp.take(token_table, input_ids, axis=0)
    positions = jnp.arange(seq_len)[None, :]
    pos_embeds = jnp.take(pos_table, positions, axis=0)
    embeddings = token_embeds + pos_embeds
    embeddings = _layer_norm(embeddings, gamma, beta)
    # dropout is identity in eval mode
    return embeddings

if __name__ == "__main__":
    import jax
    _d = setup_inputs()
    print(jax.jit(kernel)(*tuple(_d.values())))

</pallas_src>

<mosaic_0001>
#map = affine_map<(d0, d1) -> (0)>
#map1 = affine_map<(d0, d1) -> (0, 0)>
module attributes {stable_mosaic.version = 14 : i64} {
  func.func @gather(%arg0: i32, %arg1: i32, %arg2: memref<524288xi32, #tpu.memory_space<hbm>>, %arg3: memref<500000x128xf32, #tpu.memory_space<hbm>>, %arg4: memref<524288x128xf32, #tpu.memory_space<hbm>>, %arg5: memref<256xi32, #tpu.memory_space<vmem>>, %arg6: memref<256xi32, #tpu.memory_space<vmem>>, %arg7: memref<256x128xf32, #tpu.memory_space<vmem>>, %arg8: memref<256x128xf32, #tpu.memory_space<vmem>>, %arg9: memref<!tpu.dma_semaphore, #tpu.memory_space<semaphore_mem>>, %arg10: memref<!tpu.dma_semaphore, #tpu.memory_space<semaphore_mem>>) attributes {dimension_semantics = [#tpu.dimension_semantics<core_parallel>, #tpu.dimension_semantics<subcore_parallel>], iteration_bounds = array<i64: 2, 16>, scalar_prefetch = 0 : i64, scratch_operands = 6 : i64, tpu.core_type = #tpu.core_type<sc_vector_subcore>, window_params = [{transform_indices = #map}, {transform_indices = #map1}, {transform_indices = #map1}]} {
    %mul3A = arith.constant 2 : i32
    %mul3A_0 = arith.muli %arg1, %mul3A : i32
    %add3A = arith.addi %mul3A_0, %arg0 : i32
    %mul3A_1 = arith.constant 16384 : i32
    %mul3A_2 = arith.muli %add3A, %mul3A_1 : i32
    %scan3A = arith.constant 0 : i32
    %scan3A_3 = arith.constant 0 : i32
    %scan3A_4 = arith.constant 32 : i32
    %scan3A_5 = arith.addi %scan3A_3, %scan3A_4 : i32
    %scan3A_6 = arith.constant 1 : i32
    %scan3A_7 = scf.for %scan3A_9 = %scan3A_3 to %scan3A_5 step %scan3A_6 iter_args(%scan3A_10 = %scan3A) -> (i32)  : i32 {
      %mul3A_11 = arith.constant 512 : i32
      %mul3A_12 = arith.muli %scan3A_9, %mul3A_11 : i32
      %add3A_13 = arith.addi %mul3A_2, %mul3A_12 : i32
      %add3A_14 = arith.constant 256 : i32
      %add3A_15 = arith.addi %add3A_13, %add3A_14 : i32
      "tpu.region"() ({
        %run_scoped3A = tpu.sem_alloc : memref<!tpu.dma_semaphore, #tpu.memory_space<semaphore_mem>>
        %dma_start3A_27 = tpu.memref_slice %arg2[%add3A_13] : memref<524288xi32, #tpu.memory_space<hbm>> -> memref<256xi32, #tpu.memory_space<hbm>>
        %dma_start3A_28 = tpu.memref_slice %arg2[%add3A_13] : memref<524288xi32, #tpu.memory_space<hbm>> -> memref<256xi32, #tpu.memory_space<hbm>>
        tpu.enqueue_dma source(%dma_start3A_28 : memref<256xi32, #tpu.memory_space<hbm>>) target(%arg5 : memref<256xi32, #tpu.memory_space<vmem>>) target_semaphore(%run_scoped3A : memref<!tpu.dma_semaphore, #tpu.memory_space<semaphore_mem>>)
        %dma_wait3A_29 = tpu.memref_slice %arg2[%add3A_13] : memref<524288xi32, #tpu.memory_space<hbm>> -> memref<256xi32, #tpu.memory_space<hbm>>
        %dma_wait3A_30 = tpu.memref_slice %arg2[%add3A_13] : memref<524288xi32, #tpu.memory_space<hbm>> -> memref<256xi32, #tpu.memory_space<hbm>>
        tpu.wait_dma2 semaphore(%run_scoped3A : memref<!tpu.dma_semaphore, #tpu.memory_space<semaphore_mem>>) src(%dma_wait3A_30 : memref<256xi32, #tpu.memory_space<hbm>>) dst(%arg5 : memref<256xi32, #tpu.memory_space<vmem>>)
        tpu.yield
      }) : () -> ()
      %dma_start3A = arith.constant 0 : i32
      %dma_start3A_16 = arith.constant 0 : i32
      %dma_start3A_17 = tpu.memref_slice %arg3[%dma_start3A, %dma_start3A_16] : memref<500000x128xf32, #tpu.memory_space<hbm>> -> memref<500000x128xf32, #tpu.memory_space<hbm>>
      tpu.enqueue_indirect_dma source(%dma_start3A_17 : memref<500000x128xf32, #tpu.memory_space<hbm>>) target(%arg7 : memref<256x128xf32, #tpu.memory_space<vmem>>) offsets(%arg5 : memref<256xi32, #tpu.memory_space<vmem>>) semaphore(%arg9 : memref<!tpu.dma_semaphore, #tpu.memory_space<semaphore_mem>>)
      "tpu.region"() ({
        %run_scoped3A = tpu.sem_alloc : memref<!tpu.dma_semaphore, #tpu.memory_space<semaphore_mem>>
        %dma_start3A_27 = tpu.memref_slice %arg2[%add3A_15] : memref<524288xi32, #tpu.memory_space<hbm>> -> memref<256xi32, #tpu.memory_space<hbm>>
        %dma_start3A_28 = tpu.memref_slice %arg2[%add3A_15] : memref<524288xi32, #tpu.memory_space<hbm>> -> memref<256xi32, #tpu.memory_space<hbm>>
        tpu.enqueue_dma source(%dma_start3A_28 : memref<256xi32, #tpu.memory_space<hbm>>) target(%arg6 : memref<256xi32, #tpu.memory_space<vmem>>) target_semaphore(%run_scoped3A : memref<!tpu.dma_semaphore, #tpu.memory_space<semaphore_mem>>)
        %dma_wait3A_29 = tpu.memref_slice %arg2[%add3A_15] : memref<524288xi32, #tpu.memory_space<hbm>> -> memref<256xi32, #tpu.memory_space<hbm>>
        %dma_wait3A_30 = tpu.memref_slice %arg2[%add3A_15] : memref<524288xi32, #tpu.memory_space<hbm>> -> memref<256xi32, #tpu.memory_space<hbm>>
        tpu.wait_dma2 semaphore(%run_scoped3A : memref<!tpu.dma_semaphore, #tpu.memory_space<semaphore_mem>>) src(%dma_wait3A_30 : memref<256xi32, #tpu.memory_space<hbm>>) dst(%arg6 : memref<256xi32, #tpu.memory_space<vmem>>)
        tpu.yield
      }) : () -> ()
      %dma_start3A_18 = arith.constant 0 : i32
      %dma_start3A_19 = arith.constant 0 : i32
      %dma_start3A_20 = tpu.memref_slice %arg3[%dma_start3A_18, %dma_start3A_19] : memref<500000x128xf32, #tpu.memory_space<hbm>> -> memref<500000x128xf32, #tpu.memory_space<hbm>>
      tpu.enqueue_indirect_dma source(%dma_start3A_20 : memref<500000x128xf32, #tpu.memory_space<hbm>>) target(%arg8 : memref<256x128xf32, #tpu.memory_space<vmem>>) offsets(%arg6 : memref<256xi32, #tpu.memory_space<vmem>>) semaphore(%arg10 : memref<!tpu.dma_semaphore, #tpu.memory_space<semaphore_mem>>)
      %dma_wait3A = arith.constant 0 : i32
      %dma_wait3A_21 = arith.constant 0 : i32
      %dma_wait3A_22 = tpu.memref_slice %arg3[%dma_wait3A, %dma_wait3A_21] : memref<500000x128xf32, #tpu.memory_space<hbm>> -> memref<500000x128xf32, #tpu.memory_space<hbm>>
      tpu.wait_indirect_dma semaphore(%arg9 : memref<!tpu.dma_semaphore, #tpu.memory_space<semaphore_mem>>) src(%dma_wait3A_22 : memref<500000x128xf32, #tpu.memory_space<hbm>>) dst(%arg7 : memref<256x128xf32, #tpu.memory_space<vmem>>)
      "tpu.region"() ({
        %run_scoped3A = tpu.sem_alloc : memref<!tpu.dma_semaphore, #tpu.memory_space<semaphore_mem>>
        %dma_start3A_27 = arith.constant 0 : i32
        %dma_start3A_28 = tpu.memref_slice %arg4[%add3A_13, %dma_start3A_27] : memref<524288x128xf32, #tpu.memory_space<hbm>> -> memref<256x128xf32, #tpu.memory_space<hbm>>
        %dma_start3A_29 = arith.constant 0 : i32
        %dma_start3A_30 = tpu.memref_slice %arg4[%add3A_13, %dma_start3A_29] : memref<524288x128xf32, #tpu.memory_space<hbm>> -> memref<256x128xf32, #tpu.memory_space<hbm>>
        tpu.enqueue_dma source(%arg7 : memref<256x128xf32, #tpu.memory_space<vmem>>) target(%dma_start3A_30 : memref<256x128xf32, #tpu.memory_space<hbm>>) target_semaphore(%run_scoped3A : memref<!tpu.dma_semaphore, #tpu.memory_space<semaphore_mem>>)
        %dma_wait3A_31 = arith.constant 0 : i32
        %dma_wait3A_32 = tpu.memref_slice %arg4[%add3A_13, %dma_wait3A_31] : memref<524288x128xf32, #tpu.memory_space<hbm>> -> memref<256x128xf32, #tpu.memory_space<hbm>>
        %dma_wait3A_33 = arith.constant 0 : i32
        %dma_wait3A_34 = tpu.memref_slice %arg4[%add3A_13, %dma_wait3A_33] : memref<524288x128xf32, #tpu.memory_space<hbm>> -> memref<256x128xf32, #tpu.memory_space<hbm>>
        tpu.wait_dma2 semaphore(%run_scoped3A : memref<!tpu.dma_semaphore, #tpu.memory_space<semaphore_mem>>) src(%arg7 : memref<256x128xf32, #tpu.memory_space<vmem>>) dst(%dma_wait3A_34 : memref<256x128xf32, #tpu.memory_space<hbm>>)
        tpu.yield
      }) : () -> ()
      %dma_wait3A_23 = arith.constant 0 : i32
      %dma_wait3A_24 = arith.constant 0 : i32
      %dma_wait3A_25 = tpu.memref_slice %arg3[%dma_wait3A_23, %dma_wait3A_24] : memref<500000x128xf32, #tpu.memory_space<hbm>> -> memref<500000x128xf32, #tpu.memory_space<hbm>>
      tpu.wait_indirect_dma semaphore(%arg10 : memref<!tpu.dma_semaphore, #tpu.memory_space<semaphore_mem>>) src(%dma_wait3A_25 : memref<500000x128xf32, #tpu.memory_space<hbm>>) dst(%arg8 : memref<256x128xf32, #tpu.memory_space<vmem>>)
      "tpu.region"() ({
        %run_scoped3A = tpu.sem_alloc : memref<!tpu.dma_semaphore, #tpu.memory_space<semaphore_mem>>
        %dma_start3A_27 = arith.constant 0 : i32
        %dma_start3A_28 = tpu.memref_slice %arg4[%add3A_15, %dma_start3A_27] : memref<524288x128xf32, #tpu.memory_space<hbm>> -> memref<256x128xf32, #tpu.memory_space<hbm>>
        %dma_start3A_29 = arith.constant 0 : i32
        %dma_start3A_30 = tpu.memref_slice %arg4[%add3A_15, %dma_start3A_29] : memref<524288x128xf32, #tpu.memory_space<hbm>> -> memref<256x128xf32, #tpu.memory_space<hbm>>
        tpu.enqueue_dma source(%arg8 : memref<256x128xf32, #tpu.memory_space<vmem>>) target(%dma_start3A_30 : memref<256x128xf32, #tpu.memory_space<hbm>>) target_semaphore(%run_scoped3A : memref<!tpu.dma_semaphore, #tpu.memory_space<semaphore_mem>>)
        %dma_wait3A_31 = arith.constant 0 : i32
        %dma_wait3A_32 = tpu.memref_slice %arg4[%add3A_15, %dma_wait3A_31] : memref<524288x128xf32, #tpu.memory_space<hbm>> -> memref<256x128xf32, #tpu.memory_space<hbm>>
        %dma_wait3A_33 = arith.constant 0 : i32
        %dma_wait3A_34 = tpu.memref_slice %arg4[%add3A_15, %dma_wait3A_33] : memref<524288x128xf32, #tpu.memory_space<hbm>> -> memref<256x128xf32, #tpu.memory_space<hbm>>
        tpu.wait_dma2 semaphore(%run_scoped3A : memref<!tpu.dma_semaphore, #tpu.memory_space<semaphore_mem>>) src(%arg8 : memref<256x128xf32, #tpu.memory_space<vmem>>) dst(%dma_wait3A_34 : memref<256x128xf32, #tpu.memory_space<hbm>>)
        tpu.yield
      }) : () -> ()
      %scan3A_26 = arith.constant 0 : i32
      scf.yield %scan3A_26 : i32
    }
    %scan3A_8 = arith.constant 32 : i32
    return
  }
}

module attributes {stable_mosaic.version = 14 : i64} {
  func.func @_ln_body(%arg0: i32, %arg1: memref<4096x128xf32, #tpu.memory_space<vmem>>, %arg2: memref<8x512xi32, #tpu.memory_space<vmem>>, %arg3: memref<512x128xf32, #tpu.memory_space<vmem>>, %arg4: memref<64x1xf32, #tpu.memory_space<vmem>>, %arg5: memref<64x1xf32, #tpu.memory_space<vmem>>, %arg6: memref<8x64x512xf32, #tpu.memory_space<vmem>>) attributes {dimension_semantics = [#tpu.dimension_semantics<arbitrary>], iteration_bounds = array<i64: 128>, scalar_prefetch = 0 : i64, scratch_operands = 0 : i64, tpu.core_type = #tpu.core_type<tc>, window_params = [{transform_indices = @transform_0, window_bounds = array<i64: 4096, 128>}, {transform_indices = @transform_1, window_bounds = array<i64: 8, 512>}, {pipeline_mode = #tpu.pipeline_mode<synchronous>, transform_indices = @transform_2, window_bounds = array<i64: 512, 128>}, {pipeline_mode = #tpu.pipeline_mode<synchronous>, transform_indices = @transform_3, window_bounds = array<i64: 64, 1>}, {pipeline_mode = #tpu.pipeline_mode<synchronous>, transform_indices = @transform_4, window_bounds = array<i64: 64, 1>}, {transform_indices = @transform_5, window_bounds = array<i64: 8, 64, 512>}]} {
    %get3A = arith.constant 0 : index
    %get3A_0 = arith.constant 0 : index
    %get3A_1 = vector.load %arg1[%get3A, %get3A_0] : memref<4096x128xf32, #tpu.memory_space<vmem>>, vector<4096x128xf32>
    %reshape3A = vector.shape_cast %get3A_1 : vector<4096x128xf32> to vector<8x4x128x128xf32>
    %get3A_2 = arith.constant 0 : index
    %get3A_3 = arith.constant 0 : index
    %get3A_4 = vector.load %arg3[%get3A_2, %get3A_3] : memref<512x128xf32, #tpu.memory_space<vmem>>, vector<512x128xf32>
    %reshape3A_5 = vector.shape_cast %get3A_4 : vector<512x128xf32> to vector<1x4x128x128xf32>
    %add3A = vector.broadcast %reshape3A_5 : vector<1x4x128x128xf32> to vector<8x4x128x128xf32>
    %add3A_6 = arith.addf %reshape3A, %add3A : vector<8x4x128x128xf32>
    %transpose3A = tpu.transpose %add3A_6, [0, 1, 3, 2] : vector<8x4x128x128xf32> -> vector<8x4x128x128xf32>
    %slice3A = vector.extract_strided_slice %transpose3A {offsets = [0, 0, 0, 0], sizes = [8, 4, 64, 128], strides = [1, 1, 1, 1]} : vector<8x4x128x128xf32> to vector<8x4x64x128xf32>
    %slice3A_7 = vector.extract_strided_slice %transpose3A {offsets = [0, 0, 64, 0], sizes = [8, 4, 64, 128], strides = [1, 1, 1, 1]} : vector<8x4x128x128xf32> to vector<8x4x64x128xf32>
    %get3A_8 = arith.constant 0 : index
    %get3A_9 = arith.constant 0 : index
    %get3A_10 = vector.load %arg2[%get3A_8, %get3A_9] : memref<8x512xi32, #tpu.memory_space<vmem>>, vector<8x512xi32>
    %reshape3A_11 = vector.shape_cast %get3A_10 : vector<8x512xi32> to vector<8x4x1x128xi32>
    %and3A = arith.constant 1 : i32
    %and3A_12 = vector.broadcast %and3A : i32 to vector<8x4x1x128xi32>
    %and3A_13 = arith.andi %reshape3A_11, %and3A_12 : vector<8x4x1x128xi32>
    %eq3A = arith.constant 1 : i32
    %eq3A_14 = vector.broadcast %eq3A : i32 to vector<8x4x1x128xi32>
    %eq3A_15 = arith.cmpi eq, %and3A_13, %eq3A_14 : vector<8x4x1x128xi32>
    %broadcast_in_dim3A = vector.shape_cast %eq3A_15 : vector<8x4x1x128xi1> to vector<8x4x1x128xi1>
    %broadcast_in_dim3A_16 = vector.broadcast %broadcast_in_dim3A : vector<8x4x1x128xi1> to vector<8x4x64x128xi1>
    %select_n3A = arith.select %broadcast_in_dim3A_16, %slice3A_7, %slice3A : vector<8x4x64x128xi1>, vector<8x4x64x128xf32>
    %reduce_sum3A = arith.constant dense<0.000000e+00> : vector<8x4x128xf32>
    %reduce_sum3A_17 = vector.multi_reduction <add>, %select_n3A, %reduce_sum3A [2] : vector<8x4x64x128xf32> to vector<8x4x128xf32>
    %broadcast_in_dim3A_18 = vector.shape_cast %reduce_sum3A_17 : vector<8x4x128xf32> to vector<8x4x1x128xf32>
    %mul3A = arith.mulf %select_n3A, %select_n3A : vector<8x4x64x128xf32>
    %reduce_sum3A_19 = arith.constant dense<0.000000e+00> : vector<8x4x128xf32>
    %reduce_sum3A_20 = vector.multi_reduction <add>, %mul3A, %reduce_sum3A_19 [2] : vector<8x4x64x128xf32> to vector<8x4x128xf32>
    %broadcast_in_dim3A_21 = vector.shape_cast %reduce_sum3A_20 : vector<8x4x128xf32> to vector<8x4x1x128xf32>
    %mul3A_22 = arith.constant 1.562500e-02 : f32
    %mul3A_23 = vector.broadcast %mul3A_22 : f32 to vector<8x4x1x128xf32>
    %mul3A_24 = arith.mulf %broadcast_in_dim3A_18, %mul3A_23 : vector<8x4x1x128xf32>
    %mul3A_25 = arith.constant 1.562500e-02 : f32
    %mul3A_26 = vector.broadcast %mul3A_25 : f32 to vector<8x4x1x128xf32>
    %mul3A_27 = arith.mulf %broadcast_in_dim3A_21, %mul3A_26 : vector<8x4x1x128xf32>
    %mul3A_28 = arith.mulf %mul3A_24, %mul3A_24 : vector<8x4x1x128xf32>
    %sub3A = arith.subf %mul3A_27, %mul3A_28 : vector<8x4x1x128xf32>
    %add3A_29 = arith.constant 9.99999974E-6 : f32
    %add3A_30 = vector.broadcast %add3A_29 : f32 to vector<8x4x1x128xf32>
    %add3A_31 = arith.addf %sub3A, %add3A_30 : vector<8x4x1x128xf32>
    %rsqrt3A = math.rsqrt %add3A_31 : vector<8x4x1x128xf32>
    %get3A_32 = arith.constant 0 : index
    %get3A_33 = arith.constant 0 : index
    %get3A_34 = vector.load %arg4[%get3A_32, %get3A_33] : memref<64x1xf32, #tpu.memory_space<vmem>>, vector<64x1xf32>
    %reshape3A_35 = vector.shape_cast %get3A_34 : vector<64x1xf32> to vector<1x1x64x1xf32>
    %get3A_36 = arith.constant 0 : index
    %get3A_37 = arith.constant 0 : index
    %get3A_38 = vector.load %arg5[%get3A_36, %get3A_37] : memref<64x1xf32, #tpu.memory_space<vmem>>, vector<64x1xf32>
    %reshape3A_39 = vector.shape_cast %get3A_38 : vector<64x1xf32> to vector<1x1x64x1xf32>
    %sub3A_40 = vector.broadcast %mul3A_24 : vector<8x4x1x128xf32> to vector<8x4x64x128xf32>
    %sub3A_41 = arith.subf %select_n3A, %sub3A_40 : vector<8x4x64x128xf32>
    %mul3A_42 = vector.broadcast %rsqrt3A : vector<8x4x1x128xf32> to vector<8x4x64x128xf32>
    %mul3A_43 = arith.mulf %sub3A_41, %mul3A_42 : vector<8x4x64x128xf32>
    %mul3A_44 = vector.broadcast %reshape3A_35 : vector<1x1x64x1xf32> to vector<8x4x64x128xf32>
    %mul3A_45 = arith.mulf %mul3A_43, %mul3A_44 : vector<8x4x64x128xf32>
    %add3A_46 = vector.broadcast %reshape3A_39 : vector<1x1x64x1xf32> to vector<8x4x64x128xf32>
    %add3A_47 = arith.addf %mul3A_45, %add3A_46 : vector<8x4x64x128xf32>
    %transpose3A_48 = tpu.transpose %add3A_47, [0, 2, 1, 3] : vector<8x4x64x128xf32> -> vector<8x64x4x128xf32>
    %reshape3A_49 = vector.shape_cast %transpose3A_48 : vector<8x64x4x128xf32> to vector<8x64x512xf32>
    %swap3A = arith.constant 0 : index
    %swap3A_50 = arith.constant 0 : index
    %swap3A_51 = arith.constant 0 : index
    %swap3A_52 = vector.load %arg6[%swap3A, %swap3A_50, %swap3A_51] : memref<8x64x512xf32, #tpu.memory_space<vmem>>, vector<8x64x512xf32>
    tpu.vector_store %arg6[%swap3A, %swap3A_50, %swap3A_51], %reshape3A_49 {strides = array<i32>} : memref<8x64x512xf32, #tpu.memory_space<vmem>>, vector<8x64x512xf32>,
    return
  }
  func.func @transform_0(%arg0: i32) -> (i32, i32) {
    %c0_i32 = arith.constant 0 : i32
    %c0_i32_0 = arith.constant 0 : i32
    return %arg0, %c0_i32 : i32, i32
  }
  func.func @transform_1(%arg0: i32) -> (i32, i32) {
    %c0_i32 = arith.constant 0 : i32
    %c0_i32_0 = arith.constant 0 : i32
    return %arg0, %c0_i32 : i32, i32
  }
  func.func @transform_2(%arg0: i32) -> (i32, i32) {
    %c0_i32 = arith.constant 0 : i32
    %c0_i32_0 = arith.constant 0 : i32
    %c0_i32_1 = arith.constant 0 : i32
    return %c0_i32, %c0_i32_0 : i32, i32
  }
  func.func @transform_3(%arg0: i32) -> (i32, i32) {
    %c0_i32 = arith.constant 0 : i32
    %c0_i32_0 = arith.constant 0 : i32
    %c0_i32_1 = arith.constant 0 : i32
    return %c0_i32, %c0_i32_0 : i32, i32
  }
  func.func @transform_4(%arg0: i32) -> (i32, i32) {
    %c0_i32 = arith.constant 0 : i32
    %c0_i32_0 = arith.constant 0 : i32
    %c0_i32_1 = arith.constant 0 : i32
    return %c0_i32, %c0_i32_0 : i32, i32
  }
  func.func @transform_5(%arg0: i32) -> (i32, i32, i32) {
    %c0_i32 = arith.constant 0 : i32
    %c0_i32_0 = arith.constant 0 : i32
    %c0_i32_1 = arith.constant 0 : i32
    return %arg0, %c0_i32, %c0_i32_0 : i32, i32, i32
  }
}

</mosaic_0001>

<sc_bundles>
// kernel: kernel.4.cloned.1.call-start
scs
__scs_entry_jumppad:
0x0: {  	(pc) =	sbr.rel $0x88, $3  }
0x1: {  	(tag) =	ssettag $0x0;
	lr =	simm.s32 $0x1  }
0x2: {  	[smem:$0x3F9C] =	sst lr;
	_ =	strace $0xD0000000  }
0x3: {  	_ = 	snop  }
0x4: {  	_ = 	snop  }
0x5: {  	_ = 	snop  }
0x6: {  	_ = 	snop  }
0x7: {  	_ = 	snop  }
__scs_overlays_trampoline_lowered:
0x8: {  	[smem:$0x3FAB] =	sst s0  }
0x9: {  	[smem:$0x3FAC] =	sst s1  }
0xa: {  	[smem:$0x3FAD] =	sst s2  }
0xb: {  	[smem:$0x3FAE] =	sst s3  }
0xc: {  	[smem:$0x3FAF] =	sst s4  }
0xd: {  	[smem:$0x3FB0] =	sst s5  }
0xe: {  	[smem:$0x3FB1] =	sst s6  }
0xf: {  	[smem:$0x3FB2] =	sst s7  }
0x10: {  	[smem:$0x3FB3] =	sst s8  }
0x11: {  	[smem:$0x3FB4] =	sst s9;
	s0 =	simm.s32 @!p0 $0x0  }
0x12: {  	s1 =	sld [smem:$0x3F9A];
	s0 =	simm.s32 @p0 $0x1  }
0x13: {  	[smem:$0x3FB5] =	sst s0;
	s0 =	simm.s32 @!p1 $0x0  }
0x14: {  	s2 =	sld [smem:$0x3F99];
	s0 =	simm.s32 @p1 $0x1  }
0x15: {  	[smem:$0x3FB6] =	sst s0;
	s0 =	simm.s32 @!p2 $0x0  }
0x16: {  	s3 =	sld [smem:$0x3FDB];
	s0 =	simm.s32 @p2 $0x1  }
0x17: {  	s4 =	simm.s32 $0x1BF5;
	[smem:$0x3FB8] =	sst s0  }
0x18: {  	s0 =	sld [smem:$0x3F9B];
	_ =	swait.ge [sflag:s4], $0x0  }
0x19: {  	s7 =	sld [smem:$0x3F9C]  }
0x1a: {  	s8 =	sadd.s32 $0xFFFFE003, lr  }
0x1b: {  	s9 =	sadd.s32 $0xFFFFFEF7, lr;
	s5 =	simm.s32 $0xFFFFFFFF;
	p2 =	slt.u32 s8, $0xFFFFF086  }
0x1c: {  	p1 =	slt.u32 s9, $0xF7A;
	s5 =	simm.s32 @!p2 $0x0  }
0x1d: {  	s5 =	simm.s32 @p1 $0x1;
	p0 =	seq.s32 s7, s2  }
0x1e: {  	s7 =	smul.u32 @!p0 $0xF7A, s2;
	p2 =	seq.s32 @!p0 s5, $0x0  }
0x1f: {  	s9 =	smul.u32 $0xF7A, s1;
	s8 =	simm.s32 @!p0 $0x1BF5;
	p2 =	por !p2, p0  }
0x20: {  	[sflag:s8] =	ssyncset.s32 @!p0 $0xFFFFF086;
	s6 =	sadd.s32 @!p0 s3, s7;
	s7 =	simm.s32 @!p0 $0x108  }
0x21: {  	s3 =	sadd.s32 s3, s9;
	s6 =	sadd.s32 @!p0 $0x88, s6;
	s7 =	simm.s32 @p2 $0x1082  }
0x22: {  	[simem:s7], [sflag:s8] =	dma.local @!p0 [hbm:s6], $0xF7A  }
0x23: {  	s9 =	sor.u32 $0xD0000000, s2;
	s6 =	simm.s32 $0x108;
	_ =	swait.ge @!p0 [sflag:s8], $0x0  }
0x24: {  	s3 =	sadd.s32 $0x88, s3;
	s6 =	simm.s32 @!p1 $0x1082;
	[sflag:s4] =	ssyncset.s32 $0xFFFFF086  }
0x25: {  	[simem:s6], [sflag:s4] =	dma.local [hbm:s3], $0xF7A  }
0x26: {  	[smem:$0x3F9C] =	sst s1;
	(tag) =	ssettag s2;
	_ =	strace s9  }
0x27: {  	s1 =	sld [smem:$0x3FAC]  }
0x28: {  	s2 =	sld [smem:$0x3FAD]  }
0x29: {  	s4 =	sld [smem:$0x3FAF]  }
0x2a: {  	p0 =	seq.s32 s5, $0x0;
	s5 =	sld [smem:$0x3FB0]  }
0x2b: {  	s6 =	sld [smem:$0x3FB1]  }
0x2c: {  	s7 =	sld [smem:$0x3FB2]  }
0x2d: {  	s3 =	simm.s32 $0x108;
	s8 =	sld [smem:$0x3FB3]  }
0x2e: {  	s3 =	simm.s32 @!p0 $0x1082;
	s9 =	sld [smem:$0x3FB4]  }
0x2f: {  	lr =	sadd.s32 s0, s3;
	s0 =	sld [smem:$0x3FAB]  }
0x30: {  	s3 =	sld [smem:$0x3FAE]  }
0x31: {  	[smem:$0x3FB7] =	sst s10  }
0x32: {  	s10 =	sld [smem:$0x3FB5];
	_ =	sdelay $0x3  }
0x33: {  	p0 =	seq.s32 s10, $0x1;
	s10 =	sld [smem:$0x3FB7];
	_ =	sdelay $0x3  }
0x34: {  	[smem:$0x3FB7] =	sst s10  }
0x35: {  	s10 =	sld [smem:$0x3FB6];
	_ =	sdelay $0x3  }
0x36: {  	p1 =	seq.s32 s10, $0x1;
	s10 =	sld [smem:$0x3FB7];
	_ =	sdelay $0x3  }
0x37: {  	[smem:$0x3FB7] =	sst s10  }
0x38: {  	s10 =	sld [smem:$0x3FB8]  }
0x39: {  	_ = 	snop;
	(pc) =	sbr.ind lr, $3  }
0x3a: {  	_ = 	snop  }
0x3b: {  	_ = 	snop  }
0x3c: {  	p2 =	seq.s32 s10, $0x1;
	s10 =	sld [smem:$0x3FB7]  }
0x3d: {  	_ =	shalt  }
0x3e: {  	_ =	shalt  }
0x3f: {  	_ =	shalt  }
0x40: {  	_ =	shalt  }
0x41: {  	_ =	shalt  }
0x42: {  	_ =	shalt  }
0x43: {  	_ =	shalt  }
0x44: {  	_ =	shalt  }
0x45: {  	_ =	shalt  }
0x46: {  	_ =	shalt  }
0x47: {  	_ =	shalt  }
0x48: {  	_ =	shalt  }
0x49: {  	_ =	shalt  }
0x4a: {  	_ =	shalt  }
0x4b: {  	_ =	shalt  }
0x4c: {  	_ =	shalt  }
0x4d: {  	_ =	shalt  }
0x4e: {  	_ =	shalt  }
0x4f: {  	_ =	shalt  }
0x50: {  	_ =	shalt  }
0x51: {  	_ =	shalt  }
0x52: {  	_ =	shalt  }
0x53: {  	_ =	shalt  }
0x54: {  	_ =	shalt  }
0x55: {  	_ =	shalt  }
0x56: {  	_ =	shalt  }
0x57: {  	_ =	shalt  }
0x58: {  	_ =	shalt  }
0x59: {  	_ =	shalt  }
0x5a: {  	_ =	shalt  }
0x5b: {  	_ =	shalt  }
0x5c: {  	_ =	shalt  }
0x5d: {  	_ =	shalt  }
0x5e: {  	_ =	shalt  }
0x5f: {  	_ =	shalt  }
0x60: {  	_ =	shalt  }
0x61: {  	_ =	shalt  }
0x62: {  	_ =	shalt  }
0x63: {  	_ =	shalt  }
0x64: {  	_ =	shalt  }
0x65: {  	_ =	shalt  }
0x66: {  	_ =	shalt  }
0x67: {  	_ =	shalt  }
0x68: {  	_ =	shalt  }
0x69: {  	_ =	shalt  }
0x6a: {  	_ =	shalt  }
0x6b: {  	_ =	shalt  }
0x6c: {  	_ =	shalt  }
0x6d: {  	_ =	shalt  }
0x6e: {  	_ =	shalt  }
0x6f: {  	_ =	shalt  }
0x70: {  	_ =	shalt  }
0x71: {  	_ =	shalt  }
0x72: {  	_ =	shalt  }
0x73: {  	_ =	shalt  }
0x74: {  	_ =	shalt  }
0x75: {  	_ =	shalt  }
0x76: {  	_ =	shalt  }
0x77: {  	_ =	shalt  }
0x78: {  	_ =	shalt  }
0x79: {  	_ =	shalt  }
0x7a: {  	_ =	shalt  }
0x7b: {  	_ =	shalt  }
0x7c: {  	_ =	shalt  }
0x7d: {  	_ =	shalt  }
0x7e: {  	_ =	shalt  }
0x7f: {  	_ =	shalt  }
0x80: {  	_ =	shalt  }
0x81: {  	_ =	shalt  }
0x82: {  	_ =	shalt  }
0x83: {  	_ =	shalt  }
0x84: {  	_ =	shalt  }
0x85: {  	_ =	shalt  }
0x86: {  	_ =	shalt  }
0x87: {  	_ =	shalt  }
.Lfunc_end0:
.L_simem_size_0:
called_computation_lowered:
.L_overlay_start_0:
0x88: {  	s2 =	sld [smem:$0x3FD9]  }
0x89: {  	s3 =	sld [smem:$0x3FFE];
	_ =	sdelay $0x1  }
0x8a: {  	s1 =	srdreg.scid  }
0x8b: {  	s0 =	sand.u32 $0x1, s1  }
0x8c: {  	s17 =	sshll.u32 s0, $0xA;
	s2 =	sadd.s32 s3, s2  }
0x8d: {  	s2 =	sadd.s32 s2, s17  }
0x8e: {  	[smem:$0x3FC3] =	sst s2  }
0x8f: {  	_ = 	snop  }
0x90: {  	s2 =	sld [smem:$0x3FD0];
	(tm) =	ssettm $0x1  }
0x91: {  	s18 =	sld [smem:$0x3FFB];
	_ =	sdelay $0x3  }
0x92: {  	_ =	strace s18  }
0x93: {  	s3 =	sld [smem:$0x3FFC];
	_ =	sdelay $0x3  }
0x94: {  	_ =	strace s3  }
0x95: {  	s3 =	sld [smem:$0x3FFD];
	_ =	sdelay $0x3  }
0x96: {  	_ =	strace s3  }
0x97: {  	_ =	strace $0x8FFFFFFF  }
0x98: {  	s19 =	sld [smem:$0x3FDB];
	_ =	sdelay $0x1  }
0x99: {  	s4 =	simm.s32 $_scs_section_size  }
0x9a: {  	s5 =	simm.s32 $_size__tile_overlayer_lowered;
	s6 =	simm.s32 $_tile_overlayer_lowered  }
0x9b: {  	s22 =	simm.s32 $0x1BFF;
	s21 =	sshll.u32 s6, $0x1;
	s3 =	sadd.s32 s4, s19  }
0x9c: {  	s7 =	simm.s32 $0x0;
	s20 =	sshll.u32 s5, $0x1;
	s5 =	sadd.s32 s21, s3  }
0x9d: {  	[timem:s7], [sflag:s22] =	dma.local [hbm:s5], s20  }
0x9e: {  	_ =	swait.ge [sflag:s22], s20  }
0x9f: {  	s4 =	ssub.s32 $0x0, s20;
	[sflag:s22] =	ssyncset.done $0x0  }
0xa0: {  	[sflag:s22] =	ssyncadd.s32 s4;
	_ =	sdelay $0x1  }
0xa1: {  	s23 =	simm.s32 $0x1B8B  }
0xa2: {  	_ =	swait.ge [sflag:s23], $0x1  }
0xa3: {  	[sflag:s23] =	ssyncset.done $0x0  }
0xa4: {  	s25 =	simm.s32 $0x1B8E;
	s24 =	sld [smem:$0x3FFE];
	[sflag:s23] =	ssyncadd.s32 $0xFFFFFFFF  }
0xa5: {  	s26 =	simm.s32 $execute0_lowered;
	[smem:$0x3FD2] =	sst s25  }
0xa6: {  	s5 =	sshll.u32 s26, $0x1;
	_ =	strace $0x80000046;
	[dreg:$0x1] =	wrdreg $0xFFFFFFFF  }
0xa7: {  	s28 =	simm.s32 $_size_execute0_lowered;
	s3 =	sadd.s32 s3, s5;
	[dreg:$0x0] =	wrdreg $0x0  }
0xa8: {  	s5 =	sshll.u32 s28, $0x1;
	[dreg:$0x2] =	wrdreg s3  }
0xa9: {  	[dreg:$0x3] =	wrdreg s5  }
0xaa: {  	[dreg:$0x4] =	wrdreg $0xC0  }
0xab: {  	_ =	task [dreg:s7], $0x5FFFF  }
0xac: {  	[dreg:$0x1] =	wrdreg $0xFFFFFFFF  }
0xad: {  	[dreg:$0x0] =	wrdreg $0x60  }
0xae: {  	[dreg:$0x2] =	wrdreg s2  }
0xaf: {  	[dreg:$0x3] =	wrdreg s24  }
0xb0: {  	[dreg:$0x4] =	wrdreg $0x9  }
0xb1: {  	_ =	task.clear_ibuf [dreg:s7], $0x5FFFF;
	_ =	strace $0x90000046  }
0xb2: {  	s29 =	simm.s32 $0x9;
	_ =	strace $0x80000048  }
0xb3: {  	_ =	swait.ge [sflag:s29], $0x1  }
0xb4: {  	[sflag:s29] =	ssyncadd.s32 $0xFFFFFFFF  }
0xb5: {  	_ =	strace $0x90000048  }
0xb6: {  	_ =	sfence  }
0xb7: {  	s30 =	sld [smem:$0x0];
	_ =	sdelay $0x2  }
0xb8: {  	s31 =	sshll.u32 s1, $0xD;
	s1 =	sshrl.u32 s1, $0x2  }
0xb9: {  	s3 =	sand.u32 $0x4000, s31;
	s1 =	sadd.s32 s1, s30  }
0xba: {  	s0 =	sor.u32 s3, s0;
	s1 =	sshll.u32 s1, $0x11  }
0xbb: {  	s0 =	sor.u32 s1, s0  }
0xbc: {  	s0 =	sadd.s32 $0x8F2B, s0  }
0xbd: {  	[sflag:s0] =	ssyncadd.remote.s32 $0x1  }
0xbe: {  	_ =	sfence.sel $0xFFFF  }
0xbf: {  	[dreg:$0x0] =	wrdreg $0xFFFFFFFF;
	(pc) =	sbr.abs _section_cstart, $3  }
0xc0: {  	[dreg:$0x1] =	wrdreg $0xFFFFFFFF  }
0xc1: {  	_ =	task.clear_ibuf [dreg:s7], $0x2FFFF;
	_ =	strace $0x9FFFFFFF  }
0xc2: {  	(tm) =	ssettm $0x7FFFFFFF  }
0xc3: {  	_ =	shalt  }
tec
execute0_lowered:
.L_overlay_start_1:
0x0: {  	(tag) =	ssettag $0x1  }
0x1: {  	s7 =	rddreg [dreg:$0x0]  }
0x2: {  	s4 =	rddreg [dreg:$0x1]  }
0x3: {  	s0 =	rddreg [dreg:$0x2];
	s2 =	simm.s32 $0x0  }
0x4: {  	s1 =	stileid.u32;
	s3 =	srdreg.scid;
	s11 =	simm.s32 $0x8200  }
0x5: {  	s12 =	simm.s32 $0x1;
	s13 =	simm.s32 $0x2;
	s14 =	simm.s32 $0x0  }
0x6: {  	[smem:$0x7FF] =	sst s2;
	s6 =	sand.u32 $0x1, s3;
	s3 =	sadd.s32 $0xF43200, s4  }
0x7: {  	s5 =	sshll.u32 s1, $0x13;
	s9 =	sshll.u32 s1, $0xF;
	_ =	strace $0x80000047  }
0x8: {  	s5 =	sadd.s32 s5, s4;
	s28 =	ssub.s32 $0x2, s6;
	s10 =	sshll.u32 s6, $0xE  }
0x9: {  	s6 =	sshll.u32 s6, $0x12;
	s8 =	sshrl.u32 s28, $0x1;
	s29 =	sor.u32 s10, s9  }
0xa: {  	s5 =	sadd.s32 s6, s5;
	s9 =	simm.s32 $0x100;
	s10 =	simm.s32 $0x200  }
0xb: {  	s4 =	ssub.s32 s28, s8;
	s30 =	sor.u32 $0x100, s29;
	s5 =	sadd.s32 $0xE00, s5  }
0xc: {  	s8 =	sshrl.u32 s29, $0x3;
	s4 =	smax.u32 s4, $0x1;
	s31 =	sshrl.u32 s30, $0x3  }
0xd: {  	s6 =	sadd.s32 s8, s7;
	s8 =	simm.s32 $0x3;
	s7 =	sadd.s32 s31, s7  }
.LBB2_1:
0xe: {  	s15 =	sadd.s32 $0x0, s6  }
0xf: {  	[tilespmem:s2], [sflag:$0x3] =	stream.linear.gather [hbm4b:s15+s2], $0x100, $0x38;
	[tilespmem:$0x10200] =	vst v63  }
0x10: {  	_ =	swait.ge [sflag:s8], $0x100  }
0x11: {  	[sflag:s8] =	ssyncset.done $0x0  }
0x12: {  	[sflag:s8] =	ssyncadd.s32 $0xFFFFFF00  }
0x13: {  	[tilespmem:s10], [sflag:$0x1] =	stream.indirect.gather [hbm4b:s3+s9], $0x80, s2, s9, $0xb8;
	[tilespmem:$0x10200] =	vst v63  }
0x14: {  	s30 =	sadd.s32 $0x0, s7  }
0x15: {  	[tilespmem:s9], [sflag:$0x3] =	stream.linear.gather [hbm4b:s30+s2], $0x100, $0x38;
	[tilespmem:$0x10200] =	vst v63  }
0x16: {  	_ =	swait.ge [sflag:s8], $0x100  }
0x17: {  	[sflag:s8] =	ssyncset.done $0x0  }
0x18: {  	[sflag:s8] =	ssyncadd.s32 $0xFFFFFF00  }
0x19: {  	[tilespmem:s11], [sflag:$0x2] =	stream.indirect.gather [hbm4b:s3+s9], $0x80, s9, s9, $0xb8;
	[tilespmem:$0x10200] =	vst v63  }
0x1a: {  	_ =	swait.ge [sflag:s12], $0x8000  }
0x1b: {  	[sflag:s12] =	ssyncset.done $0x0  }
0x1c: {  	[sflag:s12] =	ssyncadd.s32 $0xFFFF8000  }
0x1d: {  	[hbm4b:s5+s2] =	stream.linear.scatter [tilespmem:s10], [sflag:$0x3], $0x8000, $0x38;
	[tilespmem:$0x10200] =	vst v63  }
0x1e: {  	_ =	swait.ge [sflag:s8], $0x8000  }
0x1f: {  	[sflag:s8] =	ssyncset.done $0x0  }
0x20: {  	[sflag:s8] =	ssyncadd.s32 $0xFFFF8000  }
0x21: {  	_ =	swait.ge [sflag:s13], $0x8000  }
0x22: {  	[sflag:s13] =	ssyncset.done $0x0  }
0x23: {  	s31 =	sadd.s32 $0x1000, s5;
	[sflag:s13] =	ssyncadd.s32 $0xFFFF8000  }
0x24: {  	[hbm4b:s31+s2] =	stream.linear.scatter [tilespmem:s11], [sflag:$0x3], $0x8000, $0x38;
	[tilespmem:$0x10200] =	vst v63  }
0x25: {  	s16 =	simm.s32 $0x40;
	_ =	swait.ge [sflag:s8], $0x8000  }
0x26: {  	s17 =	simm.s32 $0x80;
	s15 =	sadd.s32 $0x2000, s5;
	[sflag:s8] =	ssyncset.done $0x0  }
.LBB2_2:
0x27: {  	s18 =	sadd.s32 s16, s6  }
0x28: {  	[sflag:s8] =	ssyncadd.s32 $0xFFFF8000;
	s19 =	smov.u32 s17;
	s20 =	sadd.s32 $0x40, s17  }
0x29: {  	[tilespmem:s2], [sflag:$0x3] =	stream.linear.gather [hbm4b:s18+s2], $0x100, $0x38;
	[tilespmem:$0x10200] =	vst v63  }
0x2a: {  	p0 =	sne.s32 s17, $0x7C0;
	_ =	swait.ge [sflag:s8], $0x100  }
0x2b: {  	[sflag:s8] =	ssyncset.done $0x0  }
0x2c: {  	[sflag:s8] =	ssyncadd.s32 $0xFFFFFF00  }
0x2d: {  	[tilespmem:s10], [sflag:$0x1] =	stream.indirect.gather [hbm4b:s3+s9], $0x80, s2, s9, $0xb8;
	[tilespmem:$0x10200] =	vst v63  }
0x2e: {  	s17 =	sadd.s32 s16, s7;
	s16 =	smov.u32 s19  }
0x2f: {  	[tilespmem:s9], [sflag:$0x3] =	stream.linear.gather [hbm4b:s17+s2], $0x100, $0x38;
	[tilespmem:$0x10200] =	vst v63  }
0x30: {  	_ =	swait.ge [sflag:s8], $0x100  }
0x31: {  	[sflag:s8] =	ssyncset.done $0x0  }
0x32: {  	[sflag:s8] =	ssyncadd.s32 $0xFFFFFF00  }
0x33: {  	[tilespmem:s11], [sflag:$0x2] =	stream.indirect.gather [hbm4b:s3+s9], $0x80, s9, s9, $0xb8;
	[tilespmem:$0x10200] =	vst v63  }
0x34: {  	_ =	swait.ge [sflag:s12], $0x8000  }
0x35: {  	[sflag:s12] =	ssyncset.done $0x0  }
0x36: {  	[sflag:s12] =	ssyncadd.s32 $0xFFFF8000  }
0x37: {  	[hbm4b:s15+s2] =	stream.linear.scatter [tilespmem:s10], [sflag:$0x3], $0x8000, $0x38;
	[tilespmem:$0x10200] =	vst v63  }
0x38: {  	_ =	swait.ge [sflag:s8], $0x8000  }
0x39: {  	[sflag:s8] =	ssyncset.done $0x0  }
0x3a: {  	[sflag:s8] =	ssyncadd.s32 $0xFFFF8000  }
0x3b: {  	_ =	swait.ge [sflag:s13], $0x8000  }
.Ltmp0:
0x3c: {  	[sflag:s13] =	ssyncset.done $0x0;
	(pc) =	sbr.rel @p0 .LBB2_2-.Ltmp0, $4  }
0x3d: {  	s17 =	sadd.s32 $0x1000, s15;
	[sflag:s13] =	ssyncadd.s32 $0xFFFF8000  }
0x3e: {  	[hbm4b:s17+s2] =	stream.linear.scatter [tilespmem:s11], [sflag:$0x3], $0x8000, $0x38;
	[tilespmem:$0x10200] =	vst v63  }
0x3f: {  	_ =	swait.ge [sflag:s8], $0x8000  }
0x40: {  	s15 =	sadd.s32 $0x2000, s15;
	s17 =	smov.u32 s20;
	[sflag:s8] =	ssyncset.done $0x0  }
0x41: {  	s17 =	sadd.s32 s16, s6;
	[sflag:s8] =	ssyncadd.s32 $0xFFFF8000  }
0x42: {  	[tilespmem:s2], [sflag:$0x3] =	stream.linear.gather [hbm4b:s17+s2], $0x100, $0x38;
	[tilespmem:$0x10200] =	vst v63  }
0x43: {  	_ =	swait.ge [sflag:s8], $0x100  }
0x44: {  	[sflag:s8] =	ssyncset.done $0x0  }
0x45: {  	[sflag:s8] =	ssyncadd.s32 $0xFFFFFF00  }
0x46: {  	[tilespmem:s10], [sflag:$0x1] =	stream.indirect.gather [hbm4b:s3+s9], $0x80, s2, s9, $0xb8;
	[tilespmem:$0x10200] =	vst v63  }
0x47: {  	s30 =	sadd.s32 s16, s7  }
0x48: {  	[tilespmem:s9], [sflag:$0x3] =	stream.linear.gather [hbm4b:s30+s2], $0x100, $0x38;
	[tilespmem:$0x10200] =	vst v63  }
0x49: {  	_ =	swait.ge [sflag:s8], $0x100  }
0x4a: {  	[sflag:s8] =	ssyncset.done $0x0  }
0x4b: {  	[sflag:s8] =	ssyncadd.s32 $0xFFFFFF00  }
0x4c: {  	[tilespmem:s11], [sflag:$0x2] =	stream.indirect.gather [hbm4b:s3+s9], $0x80, s9, s9, $0xb8;
	[tilespmem:$0x10200] =	vst v63  }
0x4d: {  	_ =	swait.ge [sflag:s12], $0x8000  }
0x4e: {  	[sflag:s12] =	ssyncset.done $0x0  }
0x4f: {  	[sflag:s12] =	ssyncadd.s32 $0xFFFF8000  }
0x50: {  	[hbm4b:s15+s2] =	stream.linear.scatter [tilespmem:s10], [sflag:$0x3], $0x8000, $0x38;
	[tilespmem:$0x10200] =	vst v63  }
0x51: {  	_ =	swait.ge [sflag:s8], $0x8000  }
0x52: {  	[sflag:s8] =	ssyncset.done $0x0  }
0x53: {  	[sflag:s8] =	ssyncadd.s32 $0xFFFF8000  }
0x54: {  	s14 =	sadd.s32 $0x1, s14;
	_ =	swait.ge [sflag:s13], $0x8000  }
0x55: {  	p0 =	sne.s32 s14, s4;
	[sflag:s13] =	ssyncset.done $0x0  }
.Ltmp1:
0x56: {  	s31 =	sadd.s32 $0x1000, s15;
	[sflag:s13] =	ssyncadd.s32 $0xFFFF8000;
	(pc) =	sbr.rel @p0 .LBB2_1-.Ltmp1, $4  }
0x57: {  	[hbm4b:s31+s2] =	stream.linear.scatter [tilespmem:s11], [sflag:$0x3], $0x8000, $0x38;
	[tilespmem:$0x10200] =	vst v63  }
0x58: {  	_ =	swait.ge [sflag:s8], $0x8000  }
0x59: {  	[sflag:s8] =	ssyncset.done $0x0  }
0x5a: {  	[sflag:s8] =	ssyncadd.s32 $0xFFFF8000  }
0x5b: {  	_ =	sfence.sel $0x180000  }
0x5c: {  	[bflag:$0x0] =	sbarrier.arrive $0xFFFF  }
0x5d: {  	p0 =	sne.s32 s1, $0x0;
	_ =	strace $0x90000047  }
0x5e: {  	s0 =	sadd.s32 @!p0 $0x100000, s0;
	[bflag:$0x2] =	sbarrier.arrive $0xFFFF  }
0x5f: {  	[sflag:s0] =	ssyncadd.tile.s32 @!p0 $0x1;
	_ =	shalt  }
.Lfunc_end2:
_tile_overlayer_lowered:
.L_overlay_start_2:
0x60: {  	(tag) =	ssettag $0x2  }
0x61: {  	s0 =	rddreg [dreg:$0x0];
	s2 =	stileid.u32  }
0x62: {  	s1 =	rddreg [dreg:$0x1];
	p0 =	sne.s32 s2, $0x0  }
0x63: {  	s3 =	rddreg [dreg:$0x2];
	[bflag:$0x3] =	sbarrier.arrive $0xFFFF;
	s2 =	simm.s32 @!p0 $0x1C03  }
0x64: {  	[timem:s3], [sflag:s2] =	dma.local @!p0 [hbm:s0], s1  }
0x65: {  	s0 =	simm.s32 @!p0 $0x3  }
0x66: {  	_ =	swait.ge @!p0 [sflag:s0], s1  }
0x67: {  	s1 =	ssub.s32 @!p0 $0x0, s1;
	[sflag:s0] =	ssyncset.done @!p0 $0x0  }
0x68: {  	[sflag:s0] =	ssyncadd.s32 @!p0 s1  }
0x69: {  	[bflag:$0x3] =	sbarrier.arrive $0xFFFF  }
0x6a: {  	_ =	shalt  }

</sc_bundles>
